<compile_context>
chip_gen: v7x
topology: tpu7x:2x2x1
jax: 0.10.2.dev20260603
libtpu: 0.0.44.dev20260713+nightly
codegen_flags: <defaults>
</compile_context>

<pallas_src>
import jax
import jax.numpy as jnp
from jax import lax
from jax.experimental import pallas as pl
from jax.experimental.pallas import tpu as pltpu

_B, _C, _D, _H, _W = 2, 768, 32, 32, 32
_SP = _D * _H * _W
_K = 192
_CC = 256


def _topk_body(s_ref, idx_ref):
    s = s_ref[...]
    rows = []
    for b in range(_B):
        sb = s[b]
        row = sb[None, :]
        chunks = []
        for ci in range(_C // _CC):
            scand = sb[ci * _CC:(ci + 1) * _CC][:, None]
            jj = lax.broadcasted_iota(jnp.int32, (_CC, _C), 1)
            cc = ci * _CC + lax.broadcasted_iota(jnp.int32, (_CC, _C), 0)
            beats = (row > scand) | ((row == scand) & (jj < cc))
            chunks.append(jnp.sum(beats.astype(jnp.int32), axis=1))
        rank_b = jnp.concatenate(chunks)

        kk = lax.broadcasted_iota(jnp.int32, (_K, _C), 0)
        c2 = lax.broadcasted_iota(jnp.int32, (_K, _C), 1)
        sel = (rank_b[None, :] == kk)
        rows.append(jnp.sum(jnp.where(sel, c2, 0), axis=1) + b * _C)
    idx_ref[...] = jnp.stack(rows)


_topk_call = pl.pallas_call(
    _topk_body,
    out_shape=jax.ShapeDtypeStruct((_B, _K), jnp.int32),
)


def _gather_body(idx_ref, x_ref, out_ref):
    out_ref[...] = x_ref[...]


_gather_call = pl.pallas_call(
    _gather_body,
    grid_spec=pltpu.PrefetchScalarGridSpec(
        num_scalar_prefetch=1,
        grid=(_B * _K,),
        in_specs=[
            pl.BlockSpec((1, 1, _SP), lambda i, idx_ref: (idx_ref[i], 0, 0)),
        ],
        out_specs=pl.BlockSpec((1, 1, _SP), lambda i, idx_ref: (i, 0, 0)),
    ),
    out_shape=jax.ShapeDtypeStruct((_B * _K, 1, _SP), jnp.float32),
)


def kernel(x, W1, b1, W2, b2):
    y = jnp.mean(x, axis=(2, 3, 4))
    h = y @ W1.T + b1
    h = jnp.where(h >= 0, h, 0.01 * h)
    h = h @ W2.T + b2
    s = jax.nn.sigmoid(h)
    idx = _topk_call(s)
    out = _gather_call(idx.reshape(-1), x.reshape(_B * _C, 1, _SP))
    return out.reshape(_B, _K, _D, _H, _W)

# --- scband reference (transcript-rebuilt; emitter-appended) ---
"""Pipeline reference for scband-channel-selayer-own-80066780332137 (READ-ONLY COPY).

The authoritative reference and input builder live on the scoring server;
editing this copy changes nothing except your own understanding.
"""

import jax, jax.numpy as jnp
import numpy as np

B, C, D, H, W = 2, 768, 32, 32, 32
K = 192  # number_of_remaining_feature_maps


def setup_inputs(seed: int = 0) -> dict:
    key = jax.random.key(seed)
    k1, k2, k3, k4, k5 = jax.random.split(key, 5)
    x = jax.random.normal(k1, (B, C, D, H, W), dtype=jnp.float32)
    bound = 1.0 / np.sqrt(C)
    W1 = jax.random.uniform(k2, (C, C), jnp.float32, -bound, bound)
    b1 = jax.random.uniform(k3, (C,), jnp.float32, -bound, bound)
    W2 = jax.random.uniform(k4, (C, C), jnp.float32, -bound, bound)
    b2 = jax.random.uniform(k5, (C,), jnp.float32, -bound, bound)
    return {"x": x, "W1": W1, "b1": b1, "W2": W2, "b2": b2}


def reference(x, W1, b1, W2, b2):
    b, c = x.shape[0], x.shape[1]
    # adaptive avg pool to 1 over all spatial dims
    y = jnp.mean(x, axis=(2, 3, 4))  # [b, c]
    # fc: Linear -> LeakyReLU(0.01) -> Linear -> Sigmoid
    h = y @ W1.T + b1
    h = jnp.where(h >= 0, h, 0.01 * h)
    h = h @ W2.T + b2
    s = jax.nn.sigmoid(h)  # [b, c]
    # top-k channel selection per batch element (descending, like torch.topk)
    _, idx = jax.lax.top_k(s, K)  # [b, K]
    # gather selected channels: x[i, idx[i], :, :, :]
    out = jnp.take_along_axis(x, idx[:, :, None, None, None], axis=1)  # [b, K, D, H, W]
    return out

if __name__ == "__main__":
    import jax
    _d = setup_inputs()
    print(jax.jit(kernel)(*tuple(_d.values())))

</pallas_src>

<mosaic_0001>
module attributes {stable_mosaic.version = 14 : i64} {
  func.func @_topk_body(%arg0: memref<2x768xf32, #tpu.memory_space<vmem>>, %arg1: memref<2x192xi32, #tpu.memory_space<vmem>>) attributes {dimension_semantics = [], scalar_prefetch = 0 : i64, scratch_operands = 0 : i64, tpu.core_type = #tpu.core_type<tc>} {
    %get3A = arith.constant 0 : index
    %get3A_0 = arith.constant 0 : index
    %get3A_1 = vector.load %arg0[%get3A, %get3A_0] : memref<2x768xf32, #tpu.memory_space<vmem>>, vector<2x768xf32>
    %slice3A = vector.extract_strided_slice %get3A_1 {offsets = [0, 0], sizes = [1, 768], strides = [1, 1]} : vector<2x768xf32> to vector<1x768xf32>
    %squeeze3A = vector.shape_cast %slice3A : vector<1x768xf32> to vector<768xf32>
    %broadcast_in_dim3A = vector.shape_cast %squeeze3A : vector<768xf32> to vector<1x768xf32>
    %slice3A_2 = vector.extract_strided_slice %squeeze3A {offsets = [0], sizes = [256], strides = [1]} : vector<768xf32> to vector<256xf32>
    %broadcast_in_dim3A_3 = vector.shape_cast %slice3A_2 : vector<256xf32> to vector<256x1xf32>
    %iota3A = tpu.iota {dimensions = array<i32: 1>} : vector<256x768xi32>
    %iota3A_4 = tpu.iota {dimensions = array<i32: 0>} : vector<256x768xi32>
    %add3A = arith.constant 0 : i32
    %add3A_5 = vector.broadcast %add3A : i32 to vector<256x768xi32>
    %add3A_6 = arith.addi %add3A_5, %iota3A_4 : vector<256x768xi32>
    %gt3A = vector.broadcast %broadcast_in_dim3A : vector<1x768xf32> to vector<256x768xf32>
    %gt3A_7 = vector.broadcast %broadcast_in_dim3A_3 : vector<256x1xf32> to vector<256x768xf32>
    %gt3A_8 = arith.cmpf ogt, %gt3A, %gt3A_7 : vector<256x768xf32>
    %eq3A = vector.broadcast %broadcast_in_dim3A : vector<1x768xf32> to vector<256x768xf32>
    %eq3A_9 = vector.broadcast %broadcast_in_dim3A_3 : vector<256x1xf32> to vector<256x768xf32>
    %eq3A_10 = arith.cmpf oeq, %eq3A, %eq3A_9 : vector<256x768xf32>
    %lt3A = arith.cmpi slt, %iota3A, %add3A_6 : vector<256x768xi32>
    %and3A = arith.andi %eq3A_10, %lt3A : vector<256x768xi1>
    %or3A = arith.ori %gt3A_8, %and3A : vector<256x768xi1>
    %convert_element_type3A = arith.extui %or3A : vector<256x768xi1> to vector<256x768xi32>
    %reduce_sum3A = arith.constant dense<0> : vector<256xi32>
    %reduce_sum3A_11 = vector.multi_reduction <add>, %convert_element_type3A, %reduce_sum3A [1] : vector<256x768xi32> to vector<256xi32>
    %slice3A_12 = vector.extract_strided_slice %squeeze3A {offsets = [256], sizes = [256], strides = [1]} : vector<768xf32> to vector<256xf32>
    %broadcast_in_dim3A_13 = vector.shape_cast %slice3A_12 : vector<256xf32> to vector<256x1xf32>
    %iota3A_14 = tpu.iota {dimensions = array<i32: 1>} : vector<256x768xi32>
    %iota3A_15 = tpu.iota {dimensions = array<i32: 0>} : vector<256x768xi32>
    %add3A_16 = arith.constant 256 : i32
    %add3A_17 = vector.broadcast %add3A_16 : i32 to vector<256x768xi32>
    %add3A_18 = arith.addi %add3A_17, %iota3A_15 : vector<256x768xi32>
    %gt3A_19 = vector.broadcast %broadcast_in_dim3A : vector<1x768xf32> to vector<256x768xf32>
    %gt3A_20 = vector.broadcast %broadcast_in_dim3A_13 : vector<256x1xf32> to vector<256x768xf32>
    %gt3A_21 = arith.cmpf ogt, %gt3A_19, %gt3A_20 : vector<256x768xf32>
    %eq3A_22 = vector.broadcast %broadcast_in_dim3A : vector<1x768xf32> to vector<256x768xf32>
    %eq3A_23 = vector.broadcast %broadcast_in_dim3A_13 : vector<256x1xf32> to vector<256x768xf32>
    %eq3A_24 = arith.cmpf oeq, %eq3A_22, %eq3A_23 : vector<256x768xf32>
    %lt3A_25 = arith.cmpi slt, %iota3A_14, %add3A_18 : vector<256x768xi32>
    %and3A_26 = arith.andi %eq3A_24, %lt3A_25 : vector<256x768xi1>
    %or3A_27 = arith.ori %gt3A_21, %and3A_26 : vector<256x768xi1>
    %convert_element_type3A_28 = arith.extui %or3A_27 : vector<256x768xi1> to vector<256x768xi32>
    %reduce_sum3A_29 = arith.constant dense<0> : vector<256xi32>
    %reduce_sum3A_30 = vector.multi_reduction <add>, %convert_element_type3A_28, %reduce_sum3A_29 [1] : vector<256x768xi32> to vector<256xi32>
    %slice3A_31 = vector.extract_strided_slice %squeeze3A {offsets = [512], sizes = [256], strides = [1]} : vector<768xf32> to vector<256xf32>
    %broadcast_in_dim3A_32 = vector.shape_cast %slice3A_31 : vector<256xf32> to vector<256x1xf32>
    %iota3A_33 = tpu.iota {dimensions = array<i32: 1>} : vector<256x768xi32>
    %iota3A_34 = tpu.iota {dimensions = array<i32: 0>} : vector<256x768xi32>
    %add3A_35 = arith.constant 512 : i32
    %add3A_36 = vector.broadcast %add3A_35 : i32 to vector<256x768xi32>
    %add3A_37 = arith.addi %add3A_36, %iota3A_34 : vector<256x768xi32>
    %gt3A_38 = vector.broadcast %broadcast_in_dim3A : vector<1x768xf32> to vector<256x768xf32>
    %gt3A_39 = vector.broadcast %broadcast_in_dim3A_32 : vector<256x1xf32> to vector<256x768xf32>
    %gt3A_40 = arith.cmpf ogt, %gt3A_38, %gt3A_39 : vector<256x768xf32>
    %eq3A_41 = vector.broadcast %broadcast_in_dim3A : vector<1x768xf32> to vector<256x768xf32>
    %eq3A_42 = vector.broadcast %broadcast_in_dim3A_32 : vector<256x1xf32> to vector<256x768xf32>
    %eq3A_43 = arith.cmpf oeq, %eq3A_41, %eq3A_42 : vector<256x768xf32>
    %lt3A_44 = arith.cmpi slt, %iota3A_33, %add3A_37 : vector<256x768xi32>
    %and3A_45 = arith.andi %eq3A_43, %lt3A_44 : vector<256x768xi1>
    %or3A_46 = arith.ori %gt3A_40, %and3A_45 : vector<256x768xi1>
    %convert_element_type3A_47 = arith.extui %or3A_46 : vector<256x768xi1> to vector<256x768xi32>
    %reduce_sum3A_48 = arith.constant dense<0> : vector<256xi32>
    %reduce_sum3A_49 = vector.multi_reduction <add>, %convert_element_type3A_47, %reduce_sum3A_48 [1] : vector<256x768xi32> to vector<256xi32>
    %concatenate3A = tpu.concatenate %reduce_sum3A_11, %reduce_sum3A_30, %reduce_sum3A_49 in 0 : vector<256xi32>, vector<256xi32>, vector<256xi32> -> vector<768xi32>
    %iota3A_50 = tpu.iota {dimensions = array<i32: 0>} : vector<192x768xi32>
    %iota3A_51 = tpu.iota {dimensions = array<i32: 1>} : vector<192x768xi32>
    %broadcast_in_dim3A_52 = vector.shape_cast %concatenate3A : vector<768xi32> to vector<1x768xi32>
    %eq3A_53 = vector.broadcast %broadcast_in_dim3A_52 : vector<1x768xi32> to vector<192x768xi32>
    %eq3A_54 = arith.cmpi eq, %eq3A_53, %iota3A_50 : vector<192x768xi32>
    %jit3A = arith.constant 0 : i32
    %broadcast_in_dim3A_55 = vector.broadcast %jit3A : i32 to vector<192x768xi32>
    %select_n3A = arith.select %eq3A_54, %iota3A_51, %broadcast_in_dim3A_55 : vector<192x768xi1>, vector<192x768xi32>
    %reduce_sum3A_56 = arith.constant dense<0> : vector<192xi32>
    %reduce_sum3A_57 = vector.multi_reduction <add>, %select_n3A, %reduce_sum3A_56 [1] : vector<192x768xi32> to vector<192xi32>
    %add3A_58 = arith.constant 0 : i32
    %add3A_59 = vector.broadcast %add3A_58 : i32 to vector<192xi32>
    %add3A_60 = arith.addi %reduce_sum3A_57, %add3A_59 : vector<192xi32>
    %slice3A_61 = vector.extract_strided_slice %get3A_1 {offsets = [1, 0], sizes = [1, 768], strides = [1, 1]} : vector<2x768xf32> to vector<1x768xf32>
    %squeeze3A_62 = vector.shape_cast %slice3A_61 : vector<1x768xf32> to vector<768xf32>
    %broadcast_in_dim3A_63 = vector.shape_cast %squeeze3A_62 : vector<768xf32> to vector<1x768xf32>
    %slice3A_64 = vector.extract_strided_slice %squeeze3A_62 {offsets = [0], sizes = [256], strides = [1]} : vector<768xf32> to vector<256xf32>
    %broadcast_in_dim3A_65 = vector.shape_cast %slice3A_64 : vector<256xf32> to vector<256x1xf32>
    %iota3A_66 = tpu.iota {dimensions = array<i32: 1>} : vector<256x768xi32>
    %iota3A_67 = tpu.iota {dimensions = array<i32: 0>} : vector<256x768xi32>
    %add3A_68 = arith.constant 0 : i32
    %add3A_69 = vector.broadcast %add3A_68 : i32 to vector<256x768xi32>
    %add3A_70 = arith.addi %add3A_69, %iota3A_67 : vector<256x768xi32>
    %gt3A_71 = vector.broadcast %broadcast_in_dim3A_63 : vector<1x768xf32> to vector<256x768xf32>
    %gt3A_72 = vector.broadcast %broadcast_in_dim3A_65 : vector<256x1xf32> to vector<256x768xf32>
    %gt3A_73 = arith.cmpf ogt, %gt3A_71, %gt3A_72 : vector<256x768xf32>
    %eq3A_74 = vector.broadcast %broadcast_in_dim3A_63 : vector<1x768xf32> to vector<256x768xf32>
    %eq3A_75 = vector.broadcast %broadcast_in_dim3A_65 : vector<256x1xf32> to vector<256x768xf32>
    %eq3A_76 = arith.cmpf oeq, %eq3A_74, %eq3A_75 : vector<256x768xf32>
    %lt3A_77 = arith.cmpi slt, %iota3A_66, %add3A_70 : vector<256x768xi32>
    %and3A_78 = arith.andi %eq3A_76, %lt3A_77 : vector<256x768xi1>
    %or3A_79 = arith.ori %gt3A_73, %and3A_78 : vector<256x768xi1>
    %convert_element_type3A_80 = arith.extui %or3A_79 : vector<256x768xi1> to vector<256x768xi32>
    %reduce_sum3A_81 = arith.constant dense<0> : vector<256xi32>
    %reduce_sum3A_82 = vector.multi_reduction <add>, %convert_element_type3A_80, %reduce_sum3A_81 [1] : vector<256x768xi32> to vector<256xi32>
    %slice3A_83 = vector.extract_strided_slice %squeeze3A_62 {offsets = [256], sizes = [256], strides = [1]} : vector<768xf32> to vector<256xf32>
    %broadcast_in_dim3A_84 = vector.shape_cast %slice3A_83 : vector<256xf32> to vector<256x1xf32>
    %iota3A_85 = tpu.iota {dimensions = array<i32: 1>} : vector<256x768xi32>
    %iota3A_86 = tpu.iota {dimensions = array<i32: 0>} : vector<256x768xi32>
    %add3A_87 = arith.constant 256 : i32
    %add3A_88 = vector.broadcast %add3A_87 : i32 to vector<256x768xi32>
    %add3A_89 = arith.addi %add3A_88, %iota3A_86 : vector<256x768xi32>
    %gt3A_90 = vector.broadcast %broadcast_in_dim3A_63 : vector<1x768xf32> to vector<256x768xf32>
    %gt3A_91 = vector.broadcast %broadcast_in_dim3A_84 : vector<256x1xf32> to vector<256x768xf32>
    %gt3A_92 = arith.cmpf ogt, %gt3A_90, %gt3A_91 : vector<256x768xf32>
    %eq3A_93 = vector.broadcast %broadcast_in_dim3A_63 : vector<1x768xf32> to vector<256x768xf32>
    %eq3A_94 = vector.broadcast %broadcast_in_dim3A_84 : vector<256x1xf32> to vector<256x768xf32>
    %eq3A_95 = arith.cmpf oeq, %eq3A_93, %eq3A_94 : vector<256x768xf32>
    %lt3A_96 = arith.cmpi slt, %iota3A_85, %add3A_89 : vector<256x768xi32>
    %and3A_97 = arith.andi %eq3A_95, %lt3A_96 : vector<256x768xi1>
    %or3A_98 = arith.ori %gt3A_92, %and3A_97 : vector<256x768xi1>
    %convert_element_type3A_99 = arith.extui %or3A_98 : vector<256x768xi1> to vector<256x768xi32>
    %reduce_sum3A_100 = arith.constant dense<0> : vector<256xi32>
    %reduce_sum3A_101 = vector.multi_reduction <add>, %convert_element_type3A_99, %reduce_sum3A_100 [1] : vector<256x768xi32> to vector<256xi32>
    %slice3A_102 = vector.extract_strided_slice %squeeze3A_62 {offsets = [512], sizes = [256], strides = [1]} : vector<768xf32> to vector<256xf32>
    %broadcast_in_dim3A_103 = vector.shape_cast %slice3A_102 : vector<256xf32> to vector<256x1xf32>
    %iota3A_104 = tpu.iota {dimensions = array<i32: 1>} : vector<256x768xi32>
    %iota3A_105 = tpu.iota {dimensions = array<i32: 0>} : vector<256x768xi32>
    %add3A_106 = arith.constant 512 : i32
    %add3A_107 = vector.broadcast %add3A_106 : i32 to vector<256x768xi32>
    %add3A_108 = arith.addi %add3A_107, %iota3A_105 : vector<256x768xi32>
    %gt3A_109 = vector.broadcast %broadcast_in_dim3A_63 : vector<1x768xf32> to vector<256x768xf32>
    %gt3A_110 = vector.broadcast %broadcast_in_dim3A_103 : vector<256x1xf32> to vector<256x768xf32>
    %gt3A_111 = arith.cmpf ogt, %gt3A_109, %gt3A_110 : vector<256x768xf32>
    %eq3A_112 = vector.broadcast %broadcast_in_dim3A_63 : vector<1x768xf32> to vector<256x768xf32>
    %eq3A_113 = vector.broadcast %broadcast_in_dim3A_103 : vector<256x1xf32> to vector<256x768xf32>
    %eq3A_114 = arith.cmpf oeq, %eq3A_112, %eq3A_113 : vector<256x768xf32>
    %lt3A_115 = arith.cmpi slt, %iota3A_104, %add3A_108 : vector<256x768xi32>
    %and3A_116 = arith.andi %eq3A_114, %lt3A_115 : vector<256x768xi1>
    %or3A_117 = arith.ori %gt3A_111, %and3A_116 : vector<256x768xi1>
    %convert_element_type3A_118 = arith.extui %or3A_117 : vector<256x768xi1> to vector<256x768xi32>
    %reduce_sum3A_119 = arith.constant dense<0> : vector<256xi32>
    %reduce_sum3A_120 = vector.multi_reduction <add>, %convert_element_type3A_118, %reduce_sum3A_119 [1] : vector<256x768xi32> to vector<256xi32>
    %concatenate3A_121 = tpu.concatenate %reduce_sum3A_82, %reduce_sum3A_101, %reduce_sum3A_120 in 0 : vector<256xi32>, vector<256xi32>, vector<256xi32> -> vector<768xi32>
    %iota3A_122 = tpu.iota {dimensions = array<i32: 0>} : vector<192x768xi32>
    %iota3A_123 = tpu.iota {dimensions = array<i32: 1>} : vector<192x768xi32>
    %broadcast_in_dim3A_124 = vector.shape_cast %concatenate3A_121 : vector<768xi32> to vector<1x768xi32>
    %eq3A_125 = vector.broadcast %broadcast_in_dim3A_124 : vector<1x768xi32> to vector<192x768xi32>
    %eq3A_126 = arith.cmpi eq, %eq3A_125, %iota3A_122 : vector<192x768xi32>
    %jit3A_127 = arith.constant 0 : i32
    %broadcast_in_dim3A_128 = vector.broadcast %jit3A_127 : i32 to vector<192x768xi32>
    %select_n3A_129 = arith.select %eq3A_126, %iota3A_123, %broadcast_in_dim3A_128 : vector<192x768xi1>, vector<192x768xi32>
    %reduce_sum3A_130 = arith.constant dense<0> : vector<192xi32>
    %reduce_sum3A_131 = vector.multi_reduction <add>, %select_n3A_129, %reduce_sum3A_130 [1] : vector<192x768xi32> to vector<192xi32>
    %add3A_132 = arith.constant 768 : i32
    %add3A_133 = vector.broadcast %add3A_132 : i32 to vector<192xi32>
    %add3A_134 = arith.addi %reduce_sum3A_131, %add3A_133 : vector<192xi32>
    %stack3A = vector.shape_cast %add3A_60 : vector<192xi32> to vector<1x192xi32>
    %stack3A_135 = vector.shape_cast %add3A_134 : vector<192xi32> to vector<1x192xi32>
    %stack3A_136 = tpu.concatenate %stack3A, %stack3A_135 in 0 : vector<1x192xi32>, vector<1x192xi32> -> vector<2x192xi32>
    %swap3A = arith.constant 0 : index
    %swap3A_137 = arith.constant 0 : index
    %swap3A_138 = vector.load %arg1[%swap3A, %swap3A_137] : memref<2x192xi32, #tpu.memory_space<vmem>>, vector<2x192xi32>
    tpu.vector_store %arg1[%swap3A, %swap3A_137], %stack3A_136 {strides = array<i32>} : memref<2x192xi32, #tpu.memory_space<vmem>>, vector<2x192xi32>,
    return
  }
}

module attributes {stable_mosaic.version = 14 : i64} {
  func.func @_gather_body(%arg0: i32, %arg1: memref<384xi32, #tpu.memory_space<smem>>, %arg2: memref<1x1x32768xf32, #tpu.memory_space<vmem>>, %arg3: memref<1x1x32768xf32, #tpu.memory_space<vmem>>) attributes {dimension_semantics = [#tpu.dimension_semantics<arbitrary>], iteration_bounds = array<i64: 384>, scalar_prefetch = 1 : i64, scratch_operands = 0 : i64, tpu.core_type = #tpu.core_type<tc>, window_params = [{transform_indices = @transform_0, window_bounds = array<i64: 1, 1, 32768>}, {transform_indices = @transform_1, window_bounds = array<i64: 1, 1, 32768>}]} {
    %get3A = arith.constant 0 : index
    %get3A_0 = arith.constant 0 : index
    %get3A_1 = arith.constant 0 : index
    %get3A_2 = vector.load %arg2[%get3A, %get3A_0, %get3A_1] : memref<1x1x32768xf32, #tpu.memory_space<vmem>>, vector<1x1x32768xf32>
    %swap3A = arith.constant 0 : index
    %swap3A_3 = arith.constant 0 : index
    %swap3A_4 = arith.constant 0 : index
    %swap3A_5 = vector.load %arg3[%swap3A, %swap3A_3, %swap3A_4] : memref<1x1x32768xf32, #tpu.memory_space<vmem>>, vector<1x1x32768xf32>
    tpu.vector_store %arg3[%swap3A, %swap3A_3, %swap3A_4], %get3A_2 {strides = array<i32>} : memref<1x1x32768xf32, #tpu.memory_space<vmem>>, vector<1x1x32768xf32>,
    return
  }
  func.func @transform_0(%arg0: i32, %arg1: memref<384xi32, #tpu.memory_space<smem>>) -> (i32, i32, i32) {
    %get3A = arith.index_cast %arg0 : i32 to index
    %get3A_0 = memref.load %arg1[%get3A] : memref<384xi32, #tpu.memory_space<smem>>
    %c0_i32 = arith.constant 0 : i32
    %c0_i32_1 = arith.constant 0 : i32
    %c0_i32_2 = arith.constant 0 : i32
    return %get3A_0, %c0_i32, %c0_i32_1 : i32, i32, i32
  }
  func.func @transform_1(%arg0: i32, %arg1: memref<384xi32, #tpu.memory_space<smem>>) -> (i32, i32, i32) {
    %c0_i32 = arith.constant 0 : i32
    %c0_i32_0 = arith.constant 0 : i32
    %c0_i32_1 = arith.constant 0 : i32
    return %arg0, %c0_i32, %c0_i32_0 : i32, i32, i32
  }
}

</mosaic_0001>

<sc_bundles>
// kernel: sparse-core-data-format-call.cloned.1.call-start
scs
called_computation_lowered:
.L_overlay_start_0:
0x0: {  	s2 =	sld [smem:$0x3FD9]  }
0x1: {  	s3 =	sld [smem:$0x3FFE];
	_ =	sdelay $0x1  }
0x2: {  	s1 =	srdreg.scid  }
0x3: {  	s0 =	sand.u32 $0x1, s1  }
0x4: {  	s18 =	sshll.u32 s0, $0xA;
	s2 =	sadd.s32 s3, s2  }
0x5: {  	s2 =	sadd.s32 s2, s18  }
0x6: {  	[smem:$0x3FC3] =	sst s2  }
0x7: {  	_ = 	snop  }
0x8: {  	s2 =	sld [smem:$0x3FD0];
	(tm) =	ssettm $0x1  }
0x9: {  	s19 =	sld [smem:$0x3FFB];
	_ =	sdelay $0x3  }
0xa: {  	_ =	strace s19  }
0xb: {  	s3 =	sld [smem:$0x3FFC];
	_ =	sdelay $0x3  }
0xc: {  	_ =	strace s3  }
0xd: {  	s3 =	sld [smem:$0x3FFD];
	_ =	sdelay $0x3  }
0xe: {  	_ =	strace s3  }
0xf: {  	_ =	strace $0x8FFFFFFF  }
0x10: {  	s20 =	sld [smem:$0x3FDB];
	_ =	sdelay $0x1  }
0x11: {  	s4 =	simm.s32 $_scs_section_size  }
0x12: {  	s5 =	simm.s32 $_size__tile_overlayer_lowered;
	s6 =	simm.s32 $_tile_overlayer_lowered  }
0x13: {  	s23 =	simm.s32 $0x1BFF;
	s22 =	sshll.u32 s6, $0x1;
	s3 =	sadd.s32 s4, s20  }
0x14: {  	s7 =	simm.s32 $0x0;
	s21 =	sshll.u32 s5, $0x1;
	s5 =	sadd.s32 s22, s3  }
0x15: {  	[timem:s7], [sflag:s23] =	dma.local [hbm:s5], s21  }
0x16: {  	_ =	swait.ge [sflag:s23], s21  }
0x17: {  	s4 =	ssub.s32 $0x0, s21;
	[sflag:s23] =	ssyncset.done $0x0  }
0x18: {  	[sflag:s23] =	ssyncadd.s32 s4;
	_ =	sdelay $0x1  }
0x19: {  	s24 =	simm.s32 $0x1B8B  }
0x1a: {  	_ =	swait.ge [sflag:s24], $0x1  }
0x1b: {  	[sflag:s24] =	ssyncset.done $0x0  }
0x1c: {  	s26 =	simm.s32 $0x1B8E;
	s25 =	sld [smem:$0x3FFE];
	[sflag:s24] =	ssyncadd.s32 $0xFFFFFFFF  }
0x1d: {  	s27 =	simm.s32 $execute0_lowered;
	[smem:$0x3FD2] =	sst s26  }
0x1e: {  	s5 =	sshll.u32 s27, $0x1;
	_ =	strace $0x80000046;
	[dreg:$0x1] =	wrdreg $0xFFFFFFFF  }
0x1f: {  	s28 =	simm.s32 $_size_execute0_lowered;
	s3 =	sadd.s32 s3, s5;
	[dreg:$0x0] =	wrdreg $0x0  }
0x20: {  	s5 =	sshll.u32 s28, $0x1;
	[dreg:$0x2] =	wrdreg s3  }
0x21: {  	[dreg:$0x3] =	wrdreg s5  }
0x22: {  	[dreg:$0x4] =	wrdreg $0xC0  }
0x23: {  	_ =	task [dreg:s7], $0x5FFFF  }
0x24: {  	[dreg:$0x1] =	wrdreg $0xFFFFFFFF  }
0x25: {  	[dreg:$0x0] =	wrdreg $0x60  }
0x26: {  	[dreg:$0x2] =	wrdreg s25  }
0x27: {  	[dreg:$0x3] =	wrdreg s2  }
0x28: {  	[dreg:$0x4] =	wrdreg $0x9  }
0x29: {  	_ =	task.clear_ibuf [dreg:s7], $0x5FFFF;
	_ =	strace $0x90000046  }
0x2a: {  	s29 =	simm.s32 $0x9;
	_ =	strace $0x80000048  }
0x2b: {  	_ =	swait.ge [sflag:s29], $0x1  }
0x2c: {  	[sflag:s29] =	ssyncadd.s32 $0xFFFFFFFF  }
0x2d: {  	_ =	strace $0x90000048  }
0x2e: {  	_ =	sfence  }
0x2f: {  	s30 =	sld [smem:$0x0];
	_ =	sdelay $0x2  }
0x30: {  	s31 =	sshll.u32 s1, $0xD;
	s1 =	sshrl.u32 s1, $0x2  }
0x31: {  	s3 =	sand.u32 $0x4000, s31;
	s1 =	sadd.s32 s1, s30  }
0x32: {  	s0 =	sor.u32 s3, s0;
	s1 =	sshll.u32 s1, $0x11  }
0x33: {  	s0 =	sor.u32 s1, s0  }
0x34: {  	s0 =	sadd.s32 $0x8F2B, s0  }
0x35: {  	[sflag:s0] =	ssyncadd.remote.s32 $0x1  }
0x36: {  	_ =	sfence.sel $0xFFFF  }
0x37: {  	[dreg:$0x0] =	wrdreg $0xFFFFFFFF;
	(pc) =	sbr.abs _section_cstart, $3  }
0x38: {  	[dreg:$0x1] =	wrdreg $0xFFFFFFFF  }
0x39: {  	_ =	task.clear_ibuf [dreg:s7], $0x2FFFF;
	_ =	strace $0x9FFFFFFF  }
0x3a: {  	(tm) =	ssettm $0x7FFFFFFF  }
0x3b: {  	_ =	shalt  }
tec
execute0_lowered:
.L_overlay_start_1:
0x0: {  	(tag) =	ssettag $0x1  }
0x1: {  	s4 =	rddreg [dreg:$0x0]  }
0x2: {  	s2 =	rddreg [dreg:$0x1]  }
0x3: {  	s0 =	rddreg [dreg:$0x2];
	_ =	strace $0x80000047  }
0x4: {  	s3 =	srdreg.scid;
	s1 =	stileid.u32;
	s6 =	simm.s32 $0x2  }
.Ltmp0:
0x5: {  	s11 =	simm.s32 $0x0;
	s7 =	simm.s32 $0x800000;
	(pc) =	sbr.rel .LBB1_1-.Ltmp0, $4  }
0x6: {  	s12 =	simm.s32 $0x0;
	s9 =	simm.s32 $0x0;
	s5 =	sshll.u32 s3, $0x4  }
0x7: {  	s8 =	simm.s32 $0x0;
	s3 =	simm.s32 $0x1;
	s5 =	sand.u32 $0x10, s5  }
0x8: {  	s4 =	sadd.s32 $0x180A00, s4;
	[sflag:s3] =	ssyncpa.u1 $0x0;
	s5 =	sor.u32 s1, s5  }
0x9: {  	[sflag:s6] =	ssyncpa.u1 $0x0;
	s6 =	simm.s32 $0x2000;
	s10 =	smov.u32 s5  }
.LBB1_7:
0xa: {  	s13 =	sadd.s32 $0x1, s9  }
0xb: {  	s11 =	sadd.s32 $0x20, s10;
	s15 =	smov.u32 s10;
	p1 =	sgt.s32 s13, $0x1F  }
0xc: {  	p0 =	slt.u32 s8, $0x2;
	s15 =	smov.u32 @p1 s11  }
0xd: {  	s8 =	sadd.s32 $0x1, s8;
	s13 =	simm.s32 @p1 $0x0;
	p1 =	sgt.s32 s15, $0x1F  }
0xe: {  	s15 =	smov.u32 @p1 s5;
	p1 =	sne.s32 s8, $0x22  }
.Ltmp1:
0xf: {  	_ = 	snop;
	(pc) =	sbr.rel @!p1 .LBB1_8-.Ltmp1, $4  }
0x10: {  	s14 =	simm.s32 @!p0 $0x2  }
0x11: {  	_ =	swait.ge @!p0 [sflag:s14], $0x4000  }
0x12: {  	s12 =	smov.u32 s10;
	s11 =	smov.u32 s9;
	[sflag:s14] =	ssyncset.done @!p0 $0x0  }
0x13: {  	s9 =	smov.u32 s13;
	[sflag:s14] =	ssyncadd.s32 @!p0 $0xFFFFC000;
	s10 =	smov.u32 s15  }
.LBB1_1:
0x14: {  	p0 =	sgt.u32 s8, $0x1F  }
0x15: {  	s13 =	sxor.u32 @!p0 $0xFFFFFFFF, s8;
	s14 =	sshll.u32 @!p0 s10, $0x10  }
0x16: {  	s15 =	sshll.u32 @!p0 s9, $0xB;
	s13 =	sshll.u32 @!p0 s13, $0xE;
	s14 =	sadd.s32 @!p0 s4, s14  }
0x17: {  	s13 =	sand.u32 @!p0 $0x4000, s13;
	s14 =	sadd.s32 @!p0 s15, s14;
	s15 =	simm.s32 @!p0 $0x0  }
0x18: {  	[tilespmem:s13], [sflag:$0x1] =	stream.linear.gather @!p0 [hbm4b:s14+s15], $0x4000, $0x38;
	[tilespmem:$0x10000] =	vst v63  }
0x19: {  	p0 =	seq.s32 s8, $0x0  }
0x1a: {  	p1 =	seq.s32 @!p0 s8, $0x21  }
0x1b: {  	p0 =	por p0, p1  }
.Ltmp2:
0x1c: {  	_ = 	snop;
	(pc) =	sbr.rel @p0 .LBB1_7-.Ltmp2, $1  }
0x1d: {  	_ =	sdelay $0x3  }
0x1e: {  	_ =	swait.ge [sflag:s3], $0x4000;
	s13 =	sshll.u32 s8, $0xE  }
0x1f: {  	[sflag:s3] =	ssyncset.done $0x0;
	s14 =	sand.u32 $0x4000, s13  }
0x20: {  	s15 =	simm.s32 $0x0;
	[sflag:s3] =	ssyncadd.s32 $0xFFFFC000;
	s13 =	sor.u32 $0x8000, s14  }
.LBB1_3:
0x21: {  	s16 =	sshll.u32 s15, $0x8;
	s17 =	sshll.u32 s15, $0x7  }
0x22: {  	s16 =	sand.u32 $0x1800, s16;
	s18 =	sand.u32 $0x380, s17  }
0x23: {  	s16 =	sor.u32 s18, s16  }
0x24: {  	s29 =	sshll.u32 s15, $0x9;
	s19 =	sand.u32 $0x1B00, s16  }
0x25: {  	s17 =	sand.u32 $0x80, s17;
	s18 =	sand.u32 $0x3FFFFE00, s29;
	s19 =	sadd.s32 s19, s13  }
0x26: {  	s18 =	sadd.s32 s18, s14;
	s16 =	sadd.s32 s16, s13;
	s17 =	sadd.s32 s17, s19  }
0x27: {  	v0 =	vmov s18;
	v10 =	vmov s16;
	s19 =	sadd.s32 $0x10, s17;
	s20 =	sadd.s32 $0x20, s17  }
0x28: {  	s21 =	sadd.s32 $0x30, s17;
	v1 =	vmov s17;
	s30 =	sadd.s32 $0x40, s17;
	s22 =	sadd.s32 $0x50, s17;
	v2 =	vmov s19;
	v3 =	vmov s20  }
0x29: {  	s23 =	sadd.s32 $0x60, s17;
	s31 =	sadd.s32 $0x70, s17;
	s17 =	sadd.s32 $0x400, s17;
	v4 =	vmov s21;
	v5 =	vmov s30;
	v6 =	vmov s22  }
0x2a: {  	p0 =	por $0x1, $0x1;
	s16 =	simm.s32 $0x0;
	v7 =	vmov s23;
	v8 =	vmov s31;
	v9 =	vmov s17  }
.LBB1_4:
0x2b: {  	s17 =	sshll.u32 s16, $0x7  }
0x2c: {  	s17 =	sand.u32 $0x3FFFFF80, s17  }
0x2d: {  	v11 =	vld.idx.msk [tilespmem:v0+s17+$0x0 ss:$0x1], $0xffff  }
0x2e: {  	v12 =	vld.idx.msk [tilespmem:v0+s17+$0x10 ss:$0x1], $0xffff  }
0x2f: {  	v13 =	vld.idx.msk [tilespmem:v0+s17+$0x20 ss:$0x1], $0xffff  }
0x30: {  	v14 =	vld.idx.msk [tilespmem:v0+s17+$0x30 ss:$0x1], $0xffff  }
0x31: {  	s31 =	sshll.u32 s16, $0xD;
	v15 =	vld.idx.msk [tilespmem:v0+s17+$0x40 ss:$0x1], $0xffff  }
0x32: {  	[tilespmem:v1+s31+$0x0 ss:$0x1] =	vst.idx.msk $0xffff, v11;
	v11 =	vld.idx.msk [tilespmem:v0+s17+$0x50 ss:$0x1], $0xffff  }
0x33: {  	v56 =	vld.idx.msk [tilespmem:v0+s17+$0x60 ss:$0x1], $0xffff;
	[tilespmem:v2+s31+$0x0 ss:$0x1] =	vst.idx.msk $0xffff, v12  }
0x34: {  	v57 =	vld.idx.msk [tilespmem:v0+s17+$0x70 ss:$0x1], $0xffff;
	[tilespmem:v3+s31+$0x0 ss:$0x1] =	vst.idx.msk $0xffff, v13  }
0x35: {  	v58 =	vld.idx.msk [tilespmem:v0+s17+$0x100 ss:$0x1], $0xffff;
	[tilespmem:v4+s31+$0x0 ss:$0x1] =	vst.idx.msk $0xffff, v14  }
0x36: {  	v59 =	vld.idx.msk [tilespmem:v0+s17+$0x110 ss:$0x1], $0xffff;
	[tilespmem:v5+s31+$0x0 ss:$0x1] =	vst.idx.msk $0xffff, v15  }
0x37: {  	[tilespmem:v6+s31+$0x0 ss:$0x1] =	vst.idx.msk $0xffff, v11;
	v11 =	vld.idx.msk [tilespmem:v0+s17+$0x120 ss:$0x1], $0xffff  }
0x38: {  	v60 =	vld.idx.msk [tilespmem:v0+s17+$0x130 ss:$0x1], $0xffff;
	[tilespmem:v7+s31+$0x0 ss:$0x1] =	vst.idx.msk $0xffff, v56  }
0x39: {  	v61 =	vld.idx.msk [tilespmem:v0+s17+$0x140 ss:$0x1], $0xffff;
	[tilespmem:v8+s31+$0x0 ss:$0x1] =	vst.idx.msk $0xffff, v57  }
0x3a: {  	v62 =	vld.idx.msk [tilespmem:v0+s17+$0x150 ss:$0x1], $0xffff;
	[tilespmem:v9+s31+$0x0 ss:$0x1] =	vst.idx.msk $0xffff, v58  }
0x3b: {  	v63 =	vld.idx.msk [tilespmem:v0+s17+$0x160 ss:$0x1], $0xffff;
	[tilespmem:v10+s31+$0x410 ss:$0x1] =	vst.idx.msk $0xffff, v59  }
0x3c: {  	p1 =	por p0, p0;
	[tilespmem:v10+s31+$0x420 ss:$0x1] =	vst.idx.msk $0xffff, v11;
	v11 =	vld.idx.msk [tilespmem:v0+s17+$0x170 ss:$0x1], $0xffff  }
.Ltmp3:
0x3d: {  	[tilespmem:v10+s31+$0x430 ss:$0x1] =	vst.idx.msk $0xffff, v60;
	(pc) =	sbr.rel @p1 .LBB1_4-.Ltmp3, $4  }
0x3e: {  	[tilespmem:v10+s31+$0x440 ss:$0x1] =	vst.idx.msk $0xffff, v61  }
0x3f: {  	[tilespmem:v10+s31+$0x450 ss:$0x1] =	vst.idx.msk $0xffff, v62  }
0x40: {  	[tilespmem:v10+s31+$0x460 ss:$0x1] =	vst.idx.msk $0xffff, v63  }
0x41: {  	s16 =	simm.s32 $0x1;
	p0 =	por $0x0, $0x0;
	[tilespmem:v10+s31+$0x470 ss:$0x1] =	vst.idx.msk $0xffff, v11  }
0x42: {  	s15 =	sadd.s32 $0x1, s15  }
0x43: {  	p0 =	sne.s32 s15, $0x20  }
.Ltmp4:
0x44: {  	_ = 	snop;
	(pc) =	sbr.rel @p0 .LBB1_3-.Ltmp4, $1  }
0x45: {  	_ =	sdelay $0x3  }
.Ltmp5:
0x46: {  	(pc) =	sbr.rel .LBB1_7-.Ltmp5, $4  }
0x47: {  	s12 =	sshll.u32 s12, $0xF  }
0x48: {  	s11 =	sshll.u32 s11, $0xA;
	s12 =	sadd.s32 s2, s12  }
0x49: {  	s11 =	sadd.s32 s11, s12  }
0x4a: {  	[hbm4b:s11+s6] =	stream.strided.scatter [tilespmem:s13], [sflag:$0x2], $0x4000, s7, s6, $0x38;
	[tilespmem:$0x10000] =	vst v63  }
.LBB1_8:
0x4b: {  	_ =	sfence.sel $0x180000  }
0x4c: {  	s2 =	simm.s32 $0x1;
	[bflag:$0x0] =	sbarrier.arrive $0xFFFF  }
0x4d: {  	s31 =	simm.s32 $0x2;
	[sflag:s2] =	ssyncpa.u1 $0x1  }
0x4e: {  	[sflag:s31] =	ssyncpa.u1 $0x1  }
0x4f: {  	p0 =	sne.s32 s1, $0x0;
	_ =	strace $0x90000047  }
0x50: {  	s0 =	sadd.s32 @!p0 $0x100000, s0;
	[bflag:$0x2] =	sbarrier.arrive $0xFFFF  }
0x51: {  	[sflag:s0] =	ssyncadd.tile.s32 @!p0 $0x1;
	_ =	shalt  }
.Lfunc_end1:
_tile_overlayer_lowered:
.L_overlay_start_2:
0x52: {  	(tag) =	ssettag $0x2  }
0x53: {  	s0 =	rddreg [dreg:$0x0];
	s2 =	stileid.u32  }
0x54: {  	s1 =	rddreg [dreg:$0x1];
	p0 =	sne.s32 s2, $0x0  }
0x55: {  	s3 =	rddreg [dreg:$0x2];
	[bflag:$0x3] =	sbarrier.arrive $0xFFFF;
	s2 =	simm.s32 @!p0 $0x1C01  }
0x56: {  	[timem:s3], [sflag:s2] =	dma.local @!p0 [hbm:s0], s1  }
0x57: {  	s0 =	simm.s32 @!p0 $0x1  }
0x58: {  	_ =	swait.ge @!p0 [sflag:s0], s1  }
0x59: {  	s1 =	ssub.s32 @!p0 $0x0, s1;
	[sflag:s0] =	ssyncset.done @!p0 $0x0  }
0x5a: {  	[sflag:s0] =	ssyncadd.s32 @!p0 s1  }
0x5b: {  	[bflag:$0x3] =	sbarrier.arrive $0xFFFF  }
0x5c: {  	_ =	shalt  }

</sc_bundles>
